<compile_context>
chip_gen: v7x
topology: tpu7x:2x2x1
jax: 0.10.2.dev20260603
libtpu: 0.0.44.dev20260713+nightly
codegen_flags: <defaults>
</compile_context>

<pallas_src>
import functools

import jax
import jax.numpy as jnp
from jax import lax
from jax.experimental import pallas as pl
from jax.experimental.pallas import tpu as pltpu
from jax.experimental.pallas import tpu_sc as plsc

_NUM_SPECIAL = 16
_BLOCK_S = 512


def _bulk_body(w_ref, o_ref):
    nb = o_ref.shape[0]
    bs = o_ref.shape[1]
    rows = jnp.broadcast_to(w_ref[0], (bs, o_ref.shape[2]))
    for b in range(nb):
        o_ref[b] = rows


def _patch_body(w_hbm, idx_hbm, out_ref, idx_v, w16_v, sem, isem, B, S, H):
    info = plsc.get_sparse_core_info()
    nc = info.num_cores
    wid = lax.axis_index("s") * nc + lax.axis_index("c")

    @pl.when(wid < B)
    def _():
        ones = jnp.ones((_NUM_SPECIAL,), jnp.int32)
        hw = pltpu.async_copy(w_hbm.at[ones], w16_v, sem)
        hi = pltpu.async_copy(idx_hbm, idx_v, isem)
        hi.wait()
        hw.wait()
        iv = idx_v[...] + wid * S
        pltpu.async_copy(w16_v, out_ref.at[iv], sem).wait()


def kernel(x, special_tokens_indices, W):
    B, S, H = x.shape
    idx = special_tokens_indices.astype(jnp.int32)

    bulk = pl.pallas_call(
        _bulk_body,
        grid=(S // _BLOCK_S,),
        in_specs=[pl.BlockSpec((2, H), lambda s: (0, 0))],
        out_specs=pl.BlockSpec((B, _BLOCK_S, H), lambda s: (0, s, 0)),
        out_shape=jax.ShapeDtypeStruct((B, S, H), jnp.float32),
        compiler_params=pltpu.CompilerParams(
            dimension_semantics=("arbitrary",),
        ),
    )(W)

    out_ref = jax.new_ref(bulk.reshape(B * S, H))
    patch = functools.partial(
        pl.kernel,
        mesh=plsc.VectorSubcoreMesh(core_axis_name="c", subcore_axis_name="s"),
        scratch_types=[
            pltpu.VMEM((_NUM_SPECIAL,), jnp.int32),
            pltpu.VMEM((_NUM_SPECIAL, H), jnp.float32),
            pltpu.SemaphoreType.DMA,
            pltpu.SemaphoreType.DMA,
        ],
    )(functools.partial(_patch_body, B=B, S=S, H=H))
    patch(W, idx, out_ref)
    return out_ref[...].reshape(B, S, H)

# --- scband reference (transcript-rebuilt; emitter-appended) ---
"""Pipeline reference for scband-get-token-type-embeddings-4681514353385 (READ-ONLY COPY).

The authoritative reference and input builder live on the scoring server;
editing this copy changes nothing except your own understanding.
"""

import jax, jax.numpy as jnp
import numpy as np


def setup_inputs(seed: int = 0) -> dict:
    key = jax.random.key(seed)
    k1, k2, k3 = jax.random.split(key, 3)
    x = jax.random.normal(k1, (4, 8192, 768), dtype=jnp.float32)
    special_tokens_indices = jax.random.randint(k2, (16,), 0, 8192, dtype=jnp.int64)
    # Embedding table: nn.Embedding(2, hidden_size) -> weight [2, 768]
    W = jax.random.normal(k3, (2, 768), dtype=jnp.float32)
    return {"x": x, "special_tokens_indices": special_tokens_indices, "W": W}


def reference(x, special_tokens_indices, W):
    # indices = zeros(seq_len); indices[special_tokens_indices] = 1
    S = x.shape[1]
    indices = jnp.zeros((S,), dtype=jnp.int32).at[special_tokens_indices].set(1)
    # embedding lookup: [S, H]
    pe = jnp.take(W, indices, axis=0)
    # repeat across batch: [B, S, H]
    pe = jnp.broadcast_to(pe[None, :, :], x.shape)
    return pe

if __name__ == "__main__":
    import jax
    _d = setup_inputs()
    print(jax.jit(kernel)(*tuple(_d.values())))

</pallas_src>

<mosaic_0001>
#map = affine_map<(d0, d1) -> (0, 0)>
#map1 = affine_map<(d0, d1) -> (0)>
module attributes {stable_mosaic.version = 14 : i64} {
  func.func @new_body(%arg0: i32, %arg1: i32, %arg2: memref<2x768xf32, #tpu.memory_space<hbm>>, %arg3: memref<16xi32, #tpu.memory_space<hbm>>, %arg4: memref<32768x768xf32, #tpu.memory_space<hbm>>, %arg5: memref<32768x768xf32, #tpu.memory_space<hbm>>, %arg6: memref<16xi32, #tpu.memory_space<vmem>>, %arg7: memref<16x768xf32, #tpu.memory_space<vmem>>, %arg8: memref<!tpu.dma_semaphore, #tpu.memory_space<semaphore_mem>>, %arg9: memref<!tpu.dma_semaphore, #tpu.memory_space<semaphore_mem>>) attributes {dimension_semantics = [#tpu.dimension_semantics<core_parallel>, #tpu.dimension_semantics<subcore_parallel>], iteration_bounds = array<i64: 2, 16>, scalar_prefetch = 0 : i64, scratch_operands = 4 : i64, tpu.core_type = #tpu.core_type<sc_vector_subcore>, window_params = [{transform_indices = #map}, {transform_indices = #map1}, {transform_indices = #map}, {transform_indices = #map}]} {
    %mul3A = arith.constant 2 : i32
    %mul3A_0 = arith.muli %arg1, %mul3A : i32
    %add3A = arith.addi %mul3A_0, %arg0 : i32
    %lt3A = arith.constant 4 : i32
    %lt3A_1 = arith.cmpi slt, %add3A, %lt3A : i32
    %convert_element_type3A = arith.extui %lt3A_1 : i1 to i32
    %cond3A = arith.constant 0 : i32
    %cond3A_2 = arith.cmpi ne, %convert_element_type3A, %cond3A : i32
    scf.if %cond3A_2 {
      %broadcast_in_dim3A = arith.constant 1 : i32
      %broadcast_in_dim3A_3 = vector.broadcast %broadcast_in_dim3A : i32 to vector<16xi32>
      %dma_start3A = arith.constant 0 : i32
      %dma_start3A_4 = arith.constant 0 : i32
      %dma_start3A_5 = tpu.memref_slice %arg2[%dma_start3A, %dma_start3A_4] : memref<2x768xf32, #tpu.memory_space<hbm>> -> memref<2x768xf32, #tpu.memory_space<hbm>>
      tpu.enqueue_indirect_dma source(%dma_start3A_5 : memref<2x768xf32, #tpu.memory_space<hbm>>) target(%arg7 : memref<16x768xf32, #tpu.memory_space<vmem>>) offsets(%broadcast_in_dim3A_3 : vector<16xi32>) semaphore(%arg8 : memref<!tpu.dma_semaphore, #tpu.memory_space<semaphore_mem>>)
      tpu.enqueue_dma source(%arg3 : memref<16xi32, #tpu.memory_space<hbm>>) target(%arg6 : memref<16xi32, #tpu.memory_space<vmem>>) target_semaphore(%arg9 : memref<!tpu.dma_semaphore, #tpu.memory_space<semaphore_mem>>)
      tpu.wait_dma2 semaphore(%arg9 : memref<!tpu.dma_semaphore, #tpu.memory_space<semaphore_mem>>) src(%arg3 : memref<16xi32, #tpu.memory_space<hbm>>) dst(%arg6 : memref<16xi32, #tpu.memory_space<vmem>>)
      %dma_wait3A = arith.constant 0 : i32
      %dma_wait3A_6 = arith.constant 0 : i32
      %dma_wait3A_7 = tpu.memref_slice %arg2[%dma_wait3A, %dma_wait3A_6] : memref<2x768xf32, #tpu.memory_space<hbm>> -> memref<2x768xf32, #tpu.memory_space<hbm>>
      tpu.wait_indirect_dma semaphore(%arg8 : memref<!tpu.dma_semaphore, #tpu.memory_space<semaphore_mem>>) src(%dma_wait3A_7 : memref<2x768xf32, #tpu.memory_space<hbm>>) dst(%arg7 : memref<16x768xf32, #tpu.memory_space<vmem>>)
      %get3A = arith.constant 0 : index
      %get3A_8 = tpu.vector_load %arg6[%get3A] {strides = array<i32>} : memref<16xi32, #tpu.memory_space<vmem>>, vector<16xi32>,
      %get3A_9 = vector.shape_cast %get3A_8 : vector<16xi32> to vector<16xi32>
      %mul3A_10 = arith.constant 8192 : i32
      %mul3A_11 = arith.muli %add3A, %mul3A_10 : i32
      %add3A_12 = vector.broadcast %mul3A_11 : i32 to vector<16xi32>
      %add3A_13 = arith.addi %get3A_9, %add3A_12 : vector<16xi32>
      %dma_start3A_14 = arith.constant 0 : i32
      %dma_start3A_15 = arith.constant 0 : i32
      %dma_start3A_16 = tpu.memref_slice %arg4[%dma_start3A_14, %dma_start3A_15] : memref<32768x768xf32, #tpu.memory_space<hbm>> -> memref<32768x768xf32, #tpu.memory_space<hbm>>
      tpu.enqueue_indirect_dma source(%arg7 : memref<16x768xf32, #tpu.memory_space<vmem>>) target(%dma_start3A_16 : memref<32768x768xf32, #tpu.memory_space<hbm>>) offsets(%add3A_13 : vector<16xi32>) semaphore(%arg8 : memref<!tpu.dma_semaphore, #tpu.memory_space<semaphore_mem>>)
      %dma_wait3A_17 = arith.constant 0 : i32
      %dma_wait3A_18 = arith.constant 0 : i32
      %dma_wait3A_19 = tpu.memref_slice %arg4[%dma_wait3A_17, %dma_wait3A_18] : memref<32768x768xf32, #tpu.memory_space<hbm>> -> memref<32768x768xf32, #tpu.memory_space<hbm>>
      tpu.wait_indirect_dma semaphore(%arg8 : memref<!tpu.dma_semaphore, #tpu.memory_space<semaphore_mem>>) src(%arg7 : memref<16x768xf32, #tpu.memory_space<vmem>>) dst(%dma_wait3A_19 : memref<32768x768xf32, #tpu.memory_space<hbm>>)
    } else {
    }
    return
  }
}

module attributes {stable_mosaic.version = 14 : i64} {
  func.func @_bulk_body(%arg0: i32, %arg1: memref<2x768xf32, #tpu.memory_space<vmem>>, %arg2: memref<4x512x768xf32, #tpu.memory_space<vmem>>) attributes {dimension_semantics = [#tpu.dimension_semantics<arbitrary>], iteration_bounds = array<i64: 16>, scalar_prefetch = 0 : i64, scratch_operands = 0 : i64, tpu.core_type = #tpu.core_type<tc>, window_params = [{pipeline_mode = #tpu.pipeline_mode<synchronous>, transform_indices = @transform_0, window_bounds = array<i64: 2, 768>}, {transform_indices = @transform_1, window_bounds = array<i64: 4, 512, 768>}]} {
    %get3A = arith.constant 0 : index
    %get3A_0 = arith.constant 0 : index
    %get3A_1 = vector.load %arg1[%get3A, %get3A_0] : memref<2x768xf32, #tpu.memory_space<vmem>>, vector<1x768xf32>
    %get3A_2 = vector.shape_cast %get3A_1 : vector<1x768xf32> to vector<768xf32>
    %broadcast_in_dim3A = vector.shape_cast %get3A_2 : vector<768xf32> to vector<1x768xf32>
    %broadcast_in_dim3A_3 = vector.broadcast %broadcast_in_dim3A : vector<1x768xf32> to vector<512x768xf32>
    %swap3A = arith.constant 0 : index
    %swap3A_4 = arith.constant 0 : index
    %swap3A_5 = arith.constant 0 : index
    %swap3A_6 = vector.load %arg2[%swap3A, %swap3A_4, %swap3A_5] : memref<4x512x768xf32, #tpu.memory_space<vmem>>, vector<1x512x768xf32>
    %swap3A_7 = vector.shape_cast %swap3A_6 : vector<1x512x768xf32> to vector<512x768xf32>
    %swap3A_8 = vector.shape_cast %broadcast_in_dim3A_3 : vector<512x768xf32> to vector<1x512x768xf32>
    tpu.vector_store %arg2[%swap3A, %swap3A_4, %swap3A_5], %swap3A_8 {strides = array<i32>} : memref<4x512x768xf32, #tpu.memory_space<vmem>>, vector<1x512x768xf32>,
    %swap3A_9 = arith.constant 1 : index
    %swap3A_10 = arith.constant 0 : index
    %swap3A_11 = arith.constant 0 : index
    %swap3A_12 = vector.load %arg2[%swap3A_9, %swap3A_10, %swap3A_11] : memref<4x512x768xf32, #tpu.memory_space<vmem>>, vector<1x512x768xf32>
    %swap3A_13 = vector.shape_cast %swap3A_12 : vector<1x512x768xf32> to vector<512x768xf32>
    %swap3A_14 = vector.shape_cast %broadcast_in_dim3A_3 : vector<512x768xf32> to vector<1x512x768xf32>
    tpu.vector_store %arg2[%swap3A_9, %swap3A_10, %swap3A_11], %swap3A_14 {strides = array<i32>} : memref<4x512x768xf32, #tpu.memory_space<vmem>>, vector<1x512x768xf32>,
    %swap3A_15 = arith.constant 2 : index
    %swap3A_16 = arith.constant 0 : index
    %swap3A_17 = arith.constant 0 : index
    %swap3A_18 = vector.load %arg2[%swap3A_15, %swap3A_16, %swap3A_17] : memref<4x512x768xf32, #tpu.memory_space<vmem>>, vector<1x512x768xf32>
    %swap3A_19 = vector.shape_cast %swap3A_18 : vector<1x512x768xf32> to vector<512x768xf32>
    %swap3A_20 = vector.shape_cast %broadcast_in_dim3A_3 : vector<512x768xf32> to vector<1x512x768xf32>
    tpu.vector_store %arg2[%swap3A_15, %swap3A_16, %swap3A_17], %swap3A_20 {strides = array<i32>} : memref<4x512x768xf32, #tpu.memory_space<vmem>>, vector<1x512x768xf32>,
    %swap3A_21 = arith.constant 3 : index
    %swap3A_22 = arith.constant 0 : index
    %swap3A_23 = arith.constant 0 : index
    %swap3A_24 = vector.load %arg2[%swap3A_21, %swap3A_22, %swap3A_23] : memref<4x512x768xf32, #tpu.memory_space<vmem>>, vector<1x512x768xf32>
    %swap3A_25 = vector.shape_cast %swap3A_24 : vector<1x512x768xf32> to vector<512x768xf32>
    %swap3A_26 = vector.shape_cast %broadcast_in_dim3A_3 : vector<512x768xf32> to vector<1x512x768xf32>
    tpu.vector_store %arg2[%swap3A_21, %swap3A_22, %swap3A_23], %swap3A_26 {strides = array<i32>} : memref<4x512x768xf32, #tpu.memory_space<vmem>>, vector<1x512x768xf32>,
    return
  }
  func.func @transform_0(%arg0: i32) -> (i32, i32) {
    %c0_i32 = arith.constant 0 : i32
    %c0_i32_0 = arith.constant 0 : i32
    %c0_i32_1 = arith.constant 0 : i32
    return %c0_i32, %c0_i32_0 : i32, i32
  }
  func.func @transform_1(%arg0: i32) -> (i32, i32, i32) {
    %c0_i32 = arith.constant 0 : i32
    %c0_i32_0 = arith.constant 0 : i32
    %c0_i32_1 = arith.constant 0 : i32
    return %c0_i32, %arg0, %c0_i32_0 : i32, i32, i32
  }
}

</mosaic_0001>

<sc_bundles>
// kernel: kernel.4.cloned.1.call-start
scs
__scs_entry_jumppad:
0x0: {  	(pc) =	sbr.rel $0x88, $3  }
0x1: {  	(tag) =	ssettag $0x0;
	lr =	simm.s32 $0x1  }
0x2: {  	[smem:$0x3F9F] =	sst lr;
	_ =	strace $0xD0000000  }
0x3: {  	_ = 	snop  }
0x4: {  	_ = 	snop  }
0x5: {  	_ = 	snop  }
0x6: {  	_ = 	snop  }
0x7: {  	_ = 	snop  }
__scs_overlays_trampoline_lowered:
0x8: {  	[smem:$0x3FAE] =	sst s0  }
0x9: {  	[smem:$0x3FAF] =	sst s1  }
0xa: {  	[smem:$0x3FB0] =	sst s2  }
0xb: {  	[smem:$0x3FB1] =	sst s3  }
0xc: {  	[smem:$0x3FB2] =	sst s4  }
0xd: {  	[smem:$0x3FB3] =	sst s5  }
0xe: {  	[smem:$0x3FB4] =	sst s6  }
0xf: {  	[smem:$0x3FB5] =	sst s7  }
0x10: {  	[smem:$0x3FB6] =	sst s8  }
0x11: {  	[smem:$0x3FB7] =	sst s9;
	s0 =	simm.s32 @!p0 $0x0  }
0x12: {  	s1 =	sld [smem:$0x3F9D];
	s0 =	simm.s32 @p0 $0x1  }
0x13: {  	[smem:$0x3FB8] =	sst s0;
	s0 =	simm.s32 @!p1 $0x0  }
0x14: {  	s2 =	sld [smem:$0x3F9C];
	s0 =	simm.s32 @p1 $0x1  }
0x15: {  	[smem:$0x3FB9] =	sst s0;
	s0 =	simm.s32 @!p2 $0x0  }
0x16: {  	s3 =	sld [smem:$0x3FDB];
	s0 =	simm.s32 @p2 $0x1  }
0x17: {  	s4 =	simm.s32 $0x1BF5;
	[smem:$0x3FBB] =	sst s0  }
0x18: {  	s0 =	sld [smem:$0x3F9E];
	_ =	swait.ge [sflag:s4], $0x0  }
0x19: {  	s7 =	sld [smem:$0x3F9F]  }
0x1a: {  	s8 =	sadd.s32 $0xFFFFE003, lr  }
0x1b: {  	s9 =	sadd.s32 $0xFFFFFEF7, lr;
	s5 =	simm.s32 $0xFFFFFFFF;
	p2 =	slt.u32 s8, $0xFFFFF086  }
0x1c: {  	p1 =	slt.u32 s9, $0xF7A;
	s5 =	simm.s32 @!p2 $0x0  }
0x1d: {  	s5 =	simm.s32 @p1 $0x1;
	p0 =	seq.s32 s7, s2  }
0x1e: {  	s7 =	smul.u32 @!p0 $0xF7A, s2;
	p2 =	seq.s32 @!p0 s5, $0x0  }
0x1f: {  	s9 =	smul.u32 $0xF7A, s1;
	s8 =	simm.s32 @!p0 $0x1BF5;
	p2 =	por !p2, p0  }
0x20: {  	[sflag:s8] =	ssyncset.s32 @!p0 $0xFFFFF086;
	s6 =	sadd.s32 @!p0 s3, s7;
	s7 =	simm.s32 @!p0 $0x108  }
0x21: {  	s3 =	sadd.s32 s3, s9;
	s6 =	sadd.s32 @!p0 $0x88, s6;
	s7 =	simm.s32 @p2 $0x1082  }
0x22: {  	[simem:s7], [sflag:s8] =	dma.local @!p0 [hbm:s6], $0xF7A  }
0x23: {  	s9 =	sor.u32 $0xD0000000, s2;
	s6 =	simm.s32 $0x108;
	_ =	swait.ge @!p0 [sflag:s8], $0x0  }
0x24: {  	s3 =	sadd.s32 $0x88, s3;
	s6 =	simm.s32 @!p1 $0x1082;
	[sflag:s4] =	ssyncset.s32 $0xFFFFF086  }
0x25: {  	[simem:s6], [sflag:s4] =	dma.local [hbm:s3], $0xF7A  }
0x26: {  	[smem:$0x3F9F] =	sst s1;
	(tag) =	ssettag s2;
	_ =	strace s9  }
0x27: {  	s1 =	sld [smem:$0x3FAF]  }
0x28: {  	s2 =	sld [smem:$0x3FB0]  }
0x29: {  	s4 =	sld [smem:$0x3FB2]  }
0x2a: {  	p0 =	seq.s32 s5, $0x0;
	s5 =	sld [smem:$0x3FB3]  }
0x2b: {  	s6 =	sld [smem:$0x3FB4]  }
0x2c: {  	s7 =	sld [smem:$0x3FB5]  }
0x2d: {  	s3 =	simm.s32 $0x108;
	s8 =	sld [smem:$0x3FB6]  }
0x2e: {  	s3 =	simm.s32 @!p0 $0x1082;
	s9 =	sld [smem:$0x3FB7]  }
0x2f: {  	lr =	sadd.s32 s0, s3;
	s0 =	sld [smem:$0x3FAE]  }
0x30: {  	s3 =	sld [smem:$0x3FB1]  }
0x31: {  	[smem:$0x3FBA] =	sst s10  }
0x32: {  	s10 =	sld [smem:$0x3FB8];
	_ =	sdelay $0x3  }
0x33: {  	p0 =	seq.s32 s10, $0x1;
	s10 =	sld [smem:$0x3FBA];
	_ =	sdelay $0x3  }
0x34: {  	[smem:$0x3FBA] =	sst s10  }
0x35: {  	s10 =	sld [smem:$0x3FB9];
	_ =	sdelay $0x3  }
0x36: {  	p1 =	seq.s32 s10, $0x1;
	s10 =	sld [smem:$0x3FBA];
	_ =	sdelay $0x3  }
0x37: {  	[smem:$0x3FBA] =	sst s10  }
0x38: {  	s10 =	sld [smem:$0x3FBB]  }
0x39: {  	_ = 	snop;
	(pc) =	sbr.ind lr, $3  }
0x3a: {  	_ = 	snop  }
0x3b: {  	_ = 	snop  }
0x3c: {  	p2 =	seq.s32 s10, $0x1;
	s10 =	sld [smem:$0x3FBA]  }
0x3d: {  	_ =	shalt  }
0x3e: {  	_ =	shalt  }
0x3f: {  	_ =	shalt  }
0x40: {  	_ =	shalt  }
0x41: {  	_ =	shalt  }
0x42: {  	_ =	shalt  }
0x43: {  	_ =	shalt  }
0x44: {  	_ =	shalt  }
0x45: {  	_ =	shalt  }
0x46: {  	_ =	shalt  }
0x47: {  	_ =	shalt  }
0x48: {  	_ =	shalt  }
0x49: {  	_ =	shalt  }
0x4a: {  	_ =	shalt  }
0x4b: {  	_ =	shalt  }
0x4c: {  	_ =	shalt  }
0x4d: {  	_ =	shalt  }
0x4e: {  	_ =	shalt  }
0x4f: {  	_ =	shalt  }
0x50: {  	_ =	shalt  }
0x51: {  	_ =	shalt  }
0x52: {  	_ =	shalt  }
0x53: {  	_ =	shalt  }
0x54: {  	_ =	shalt  }
0x55: {  	_ =	shalt  }
0x56: {  	_ =	shalt  }
0x57: {  	_ =	shalt  }
0x58: {  	_ =	shalt  }
0x59: {  	_ =	shalt  }
0x5a: {  	_ =	shalt  }
0x5b: {  	_ =	shalt  }
0x5c: {  	_ =	shalt  }
0x5d: {  	_ =	shalt  }
0x5e: {  	_ =	shalt  }
0x5f: {  	_ =	shalt  }
0x60: {  	_ =	shalt  }
0x61: {  	_ =	shalt  }
0x62: {  	_ =	shalt  }
0x63: {  	_ =	shalt  }
0x64: {  	_ =	shalt  }
0x65: {  	_ =	shalt  }
0x66: {  	_ =	shalt  }
0x67: {  	_ =	shalt  }
0x68: {  	_ =	shalt  }
0x69: {  	_ =	shalt  }
0x6a: {  	_ =	shalt  }
0x6b: {  	_ =	shalt  }
0x6c: {  	_ =	shalt  }
0x6d: {  	_ =	shalt  }
0x6e: {  	_ =	shalt  }
0x6f: {  	_ =	shalt  }
0x70: {  	_ =	shalt  }
0x71: {  	_ =	shalt  }
0x72: {  	_ =	shalt  }
0x73: {  	_ =	shalt  }
0x74: {  	_ =	shalt  }
0x75: {  	_ =	shalt  }
0x76: {  	_ =	shalt  }
0x77: {  	_ =	shalt  }
0x78: {  	_ =	shalt  }
0x79: {  	_ =	shalt  }
0x7a: {  	_ =	shalt  }
0x7b: {  	_ =	shalt  }
0x7c: {  	_ =	shalt  }
0x7d: {  	_ =	shalt  }
0x7e: {  	_ =	shalt  }
0x7f: {  	_ =	shalt  }
0x80: {  	_ =	shalt  }
0x81: {  	_ =	shalt  }
0x82: {  	_ =	shalt  }
0x83: {  	_ =	shalt  }
0x84: {  	_ =	shalt  }
0x85: {  	_ =	shalt  }
0x86: {  	_ =	shalt  }
0x87: {  	_ =	shalt  }
.Lfunc_end0:
.L_simem_size_0:
called_computation_lowered:
.L_overlay_start_0:
0x88: {  	s2 =	sld [smem:$0x3FD9]  }
0x89: {  	s3 =	sld [smem:$0x3FFE];
	_ =	sdelay $0x1  }
0x8a: {  	s1 =	srdreg.scid  }
0x8b: {  	s0 =	sand.u32 $0x1, s1  }
0x8c: {  	s18 =	sshll.u32 s0, $0xA;
	s2 =	sadd.s32 s3, s2  }
0x8d: {  	s2 =	sadd.s32 s2, s18  }
0x8e: {  	[smem:$0x3FC6] =	sst s2  }
0x8f: {  	_ = 	snop  }
0x90: {  	s2 =	sld [smem:$0x3FC9]  }
0x91: {  	s19 =	sld [smem:$0x3FC8]  }
0x92: {  	s4 =	sld [smem:$0x3FD0];
	(tm) =	ssettm $0x1  }
0x93: {  	s5 =	sld [smem:$0x3FFB];
	_ =	sdelay $0x3  }
0x94: {  	_ =	strace s5  }
0x95: {  	s5 =	sld [smem:$0x3FFC];
	_ =	sdelay $0x3  }
0x96: {  	_ =	strace s5  }
0x97: {  	s5 =	sld [smem:$0x3FFD];
	_ =	sdelay $0x3  }
0x98: {  	_ =	strace s5  }
0x99: {  	_ =	strace $0x8FFFFFFF  }
0x9a: {  	s20 =	sld [smem:$0x3FDB];
	_ =	sdelay $0x1  }
0x9b: {  	s6 =	simm.s32 $_scs_section_size  }
0x9c: {  	s7 =	simm.s32 $_size__tile_overlayer_lowered;
	s8 =	simm.s32 $_tile_overlayer_lowered  }
0x9d: {  	s23 =	simm.s32 $0x1BFF;
	s22 =	sshll.u32 s8, $0x1;
	s5 =	sadd.s32 s6, s20  }
0x9e: {  	s9 =	simm.s32 $0x0;
	s21 =	sshll.u32 s7, $0x1;
	s7 =	sadd.s32 s22, s5  }
0x9f: {  	[timem:s9], [sflag:s23] =	dma.local [hbm:s7], s21  }
0xa0: {  	_ =	swait.ge [sflag:s23], s21  }
0xa1: {  	s6 =	ssub.s32 $0x0, s21;
	[sflag:s23] =	ssyncset.done $0x0  }
0xa2: {  	[sflag:s23] =	ssyncadd.s32 s6;
	_ =	sdelay $0x1  }
0xa3: {  	s24 =	simm.s32 $0x1B8B  }
0xa4: {  	_ =	swait.ge [sflag:s24], $0x1  }
0xa5: {  	[sflag:s24] =	ssyncset.done $0x0  }
0xa6: {  	s25 =	simm.s32 $0x1B8E;
	[sflag:s24] =	ssyncadd.s32 $0xFFFFFFFF  }
0xa7: {  	s26 =	simm.s32 $execute0_lowered;
	[smem:$0x3FD2] =	sst s25  }
0xa8: {  	s6 =	sshll.u32 s26, $0x1;
	_ =	strace $0x80000046;
	[dreg:$0x1] =	wrdreg $0xFFFFFFFF  }
0xa9: {  	s28 =	simm.s32 $_size_execute0_lowered;
	s5 =	sadd.s32 s5, s6;
	[dreg:$0x0] =	wrdreg $0x0  }
0xaa: {  	s6 =	sshll.u32 s28, $0x1;
	[dreg:$0x2] =	wrdreg s5  }
0xab: {  	[dreg:$0x3] =	wrdreg s6  }
0xac: {  	[dreg:$0x4] =	wrdreg $0xC0  }
0xad: {  	_ =	task [dreg:s9], $0x5FFFF  }
0xae: {  	[dreg:$0x1] =	wrdreg $0xFFFFFFFF  }
0xaf: {  	[dreg:$0x0] =	wrdreg $0x60  }
0xb0: {  	[dreg:$0x2] =	wrdreg s19  }
0xb1: {  	[dreg:$0x3] =	wrdreg s2  }
0xb2: {  	[dreg:$0x4] =	wrdreg s4  }
0xb3: {  	[dreg:$0x5] =	wrdreg $0x9  }
0xb4: {  	_ =	task.clear_ibuf [dreg:s9], $0x6FFFF;
	_ =	strace $0x90000046  }
0xb5: {  	s29 =	simm.s32 $0x9;
	_ =	strace $0x80000048  }
0xb6: {  	_ =	swait.ge [sflag:s29], $0x1  }
0xb7: {  	[sflag:s29] =	ssyncadd.s32 $0xFFFFFFFF  }
0xb8: {  	_ =	strace $0x90000048  }
0xb9: {  	_ =	sfence  }
0xba: {  	s30 =	sld [smem:$0x0];
	_ =	sdelay $0x2  }
0xbb: {  	s31 =	sshll.u32 s1, $0xD;
	s1 =	sshrl.u32 s1, $0x2  }
0xbc: {  	s3 =	sand.u32 $0x4000, s31;
	s1 =	sadd.s32 s1, s30  }
0xbd: {  	s0 =	sor.u32 s3, s0;
	s1 =	sshll.u32 s1, $0x11  }
0xbe: {  	s0 =	sor.u32 s1, s0  }
0xbf: {  	s0 =	sadd.s32 $0x8F2B, s0  }
0xc0: {  	[sflag:s0] =	ssyncadd.remote.s32 $0x1  }
0xc1: {  	_ =	sfence.sel $0xFFFF  }
0xc2: {  	[dreg:$0x0] =	wrdreg $0xFFFFFFFF;
	(pc) =	sbr.abs _section_cstart, $3  }
0xc3: {  	[dreg:$0x1] =	wrdreg $0xFFFFFFFF  }
0xc4: {  	_ =	task.clear_ibuf [dreg:s9], $0x2FFFF;
	_ =	strace $0x9FFFFFFF  }
0xc5: {  	(tm) =	ssettm $0x7FFFFFFF  }
tec
execute0_lowered:
.L_overlay_start_1:
0x0: {  	(tag) =	ssettag $0x1  }
0x1: {  	s1 =	stileid.u32  }
0x2: {  	p0 =	sgt.u32 s1, $0x1  }
.Ltmp0:
0x3: {  	_ = 	snop;
	(pc) =	sbr.rel @p0 .LBB2_4-.Ltmp0, $4  }
0x4: {  	s2 =	rddreg [dreg:$0x0]  }
0x5: {  	s3 =	rddreg [dreg:$0x1]  }
0x6: {  	s4 =	rddreg [dreg:$0x2]  }
0x7: {  	s0 =	rddreg [dreg:$0x3];
	_ =	strace $0x80000047  }
0x8: {  	v2 =	vlaneseq.u32  }
0x9: {  	v3 =	vimm.s32 $0x1;
	v0 =	vand.u32 $0x7, v2;
	v5 =	vshrl.u32 v2, $0x3  }
0xa: {  	v1 =	vperm.xlane v3, v0;
	v4 =	vmul.u32 $0x2, v5;
	_ =	sdelay $0x1  }
0xb: {  	v1 =	vadd.s32 v4, v1;
	_ =	sdelay $0x2  }
0xc: {  	v2 =	vor.u32 $0x8, v2  }
0xd: {  	vm0 =	vmmov $0xffff;
	s5 =	simm.s32 $0x0;
	s6 =	simm.s32 $0x80;
	v3 =	vperm.xlane v3, v2  }
0xe: {  	[tilespmem:s6], [sflag:$0x1] =	stream.indirect_vreg.gather [hbm4b:s2+s5], $0x80, v1, vm0, $0xb8;
	[tilespmem:$0x3080] =	vst v63  }
0xf: {  	s7 =	sadd.s32 $0x40, s2;
	s8 =	simm.s32 $0x880;
	v3 =	vadd.s32 v4, v3  }
0x10: {  	[tilespmem:s8], [sflag:$0x1] =	stream.indirect_vreg.gather [hbm4b:s7+s5], $0x80, v1, vm0, $0xb8;
	[tilespmem:$0x3080] =	vst v63  }
0x11: {  	s9 =	sadd.s32 $0x80, s2;
	s10 =	simm.s32 $0x1080  }
0x12: {  	[tilespmem:s10], [sflag:$0x1] =	stream.indirect_vreg.gather [hbm4b:s9+s5], $0x80, v1, vm0, $0xb8;
	[tilespmem:$0x3080] =	vst v63  }
0x13: {  	s11 =	simm.s32 $0x1880  }
0x14: {  	[tilespmem:s11], [sflag:$0x1] =	stream.indirect_vreg.gather [hbm4b:s2+s5], $0x80, v3, vm0, $0xb8;
	[tilespmem:$0x3080] =	vst v63  }
0x15: {  	s12 =	simm.s32 $0x2080  }
0x16: {  	[tilespmem:s12], [sflag:$0x1] =	stream.indirect_vreg.gather [hbm4b:s7+s5], $0x80, v3, vm0, $0xb8;
	[tilespmem:$0x3080] =	vst v63  }
0x17: {  	s13 =	simm.s32 $0x2880  }
0x18: {  	[tilespmem:s13], [sflag:$0x1] =	stream.indirect_vreg.gather [hbm4b:s9+s5], $0x80, v3, vm0, $0xb8;
	[tilespmem:$0x3080] =	vst v63  }
0x19: {  	s14 =	simm.s32 $0x2  }
0x1a: {  	[tilespmem:s5], [sflag:$0x2] =	stream.linear.gather [hbm4b:s3+s5], $0x80, $0x38;
	[tilespmem:$0x3080] =	vst v63  }
0x1b: {  	_ =	swait.ge [sflag:s14], $0x80  }
0x1c: {  	[sflag:s14] =	ssyncset.done $0x0  }
0x1d: {  	s15 =	simm.s32 $0x1;
	[sflag:s14] =	ssyncadd.s32 $0xFFFFFF80  }
0x1e: {  	_ =	swait.ge [sflag:s15], $0x3000  }
0x1f: {  	[sflag:s15] =	ssyncset.done $0x0  }
0x20: {  	[sflag:s15] =	ssyncadd.s32 $0xFFFFD000  }
0x21: {  	s16 =	srdreg.scid;
	v6 =	vld [tilespmem:$0x0]  }
0x22: {  	s18 =	sand.u32 $0x1, s16  }
0x23: {  	s31 =	sshll.u32 s1, $0xE;
	s17 =	sshll.u32 s18, $0xD  }
0x24: {  	s16 =	sor.u32 s17, s31  }
0x25: {  	v4 =	vmov s16  }
0x26: {  	v7 =	vadd.s32 v4, v6  }
0x27: {  	v7 =	vshrl.u32 v7, $0x3  }
0x28: {  	v7 =	vmul.u32 $0x30, v7  }
0x29: {  	v6 =	vand.u32 $0x7, v6  }
0x2a: {  	v6 =	vor.u32 v6, v7  }
0x2b: {  	v5 =	vmul.u32 $0x8, v5;
	v7 =	vperm.xlane v6, v0;
	_ =	sdelay $0x1  }
0x2c: {  	v7 =	vadd.s32 v5, v7;
	_ =	sdelay $0x3  }
0x2d: {  	s18 =	ssub.s32 $0x2, s18;
	v6 =	vperm.xlane v6, v2  }
0x2e: {  	[hbm4b:s4+s5] =	stream.indirect_vreg.scatter [tilespmem:s6], [sflag:$0x1], $0x80, v7, vm0, $0xb8;
	[tilespmem:$0x3080] =	vst v63  }
0x2f: {  	s19 =	sshrl.u32 s18, $0x1;
	s16 =	sadd.s32 $0x100, s4;
	v6 =	vadd.s32 v5, v6  }
0x30: {  	[hbm4b:s16+s5] =	stream.indirect_vreg.scatter [tilespmem:s8], [sflag:$0x1], $0x80, v7, vm0, $0xb8;
	[tilespmem:$0x3080] =	vst v63  }
0x31: {  	s17 =	sadd.s32 $0x200, s4;
	s18 =	ssub.s32 s18, s19  }
0x32: {  	[hbm4b:s17+s5] =	stream.indirect_vreg.scatter [tilespmem:s10], [sflag:$0x1], $0x80, v7, vm0, $0xb8;
	[tilespmem:$0x3080] =	vst v63  }
0x33: {  	s18 =	smax.u32 s18, $0x1  }
0x34: {  	[hbm4b:s4+s5] =	stream.indirect_vreg.scatter [tilespmem:s11], [sflag:$0x1], $0x80, v6, vm0, $0xb8;
	[tilespmem:$0x3080] =	vst v63  }
0x35: {  	p0 =	sne.s32 s18, $0x1  }
0x36: {  	[hbm4b:s16+s5] =	stream.indirect_vreg.scatter [tilespmem:s12], [sflag:$0x1], $0x80, v6, vm0, $0xb8;
	[tilespmem:$0x3080] =	vst v63  }
.Ltmp1:
0x37: {  	_ = 	snop;
	(pc) =	sbr.rel @!p0 .LBB2_3-.Ltmp1, $4  }
0x38: {  	_ = 	snop  }
0x39: {  	[hbm4b:s17+s5] =	stream.indirect_vreg.scatter [tilespmem:s13], [sflag:$0x1], $0x80, v6, vm0, $0xb8;
	[tilespmem:$0x3080] =	vst v63  }
0x3a: {  	_ =	swait.ge [sflag:s15], $0x3000  }
0x3b: {  	s18 =	sadd.s32 $0xFFFFFFFF, s18;
	[sflag:s15] =	ssyncset.done $0x0  }
.LBB2_2:
0x3c: {  	p0 =	sne.s32 s18, $0x1;
	s18 =	sadd.s32 $0xFFFFFFFF, s18;
	[sflag:s15] =	ssyncadd.s32 $0xFFFFD000  }
0x3d: {  	_ = 	snop  }
0x3e: {  	[tilespmem:s6], [sflag:$0x1] =	stream.indirect_vreg.gather [hbm4b:s2+s5], $0x80, v1, vm0, $0xb8;
	[tilespmem:$0x3080] =	vst v63  }
0x3f: {  	_ = 	snop  }
0x40: {  	[tilespmem:s8], [sflag:$0x1] =	stream.indirect_vreg.gather [hbm4b:s7+s5], $0x80, v1, vm0, $0xb8;
	[tilespmem:$0x3080] =	vst v63  }
0x41: {  	_ = 	snop  }
0x42: {  	[tilespmem:s10], [sflag:$0x1] =	stream.indirect_vreg.gather [hbm4b:s9+s5], $0x80, v1, vm0, $0xb8;
	[tilespmem:$0x3080] =	vst v63  }
0x43: {  	_ = 	snop  }
0x44: {  	[tilespmem:s11], [sflag:$0x1] =	stream.indirect_vreg.gather [hbm4b:s2+s5], $0x80, v3, vm0, $0xb8;
	[tilespmem:$0x3080] =	vst v63  }
0x45: {  	_ = 	snop  }
0x46: {  	[tilespmem:s12], [sflag:$0x1] =	stream.indirect_vreg.gather [hbm4b:s7+s5], $0x80, v3, vm0, $0xb8;
	[tilespmem:$0x3080] =	vst v63  }
0x47: {  	_ = 	snop  }
0x48: {  	[tilespmem:s13], [sflag:$0x1] =	stream.indirect_vreg.gather [hbm4b:s9+s5], $0x80, v3, vm0, $0xb8;
	[tilespmem:$0x3080] =	vst v63  }
0x49: {  	_ = 	snop  }
0x4a: {  	[tilespmem:s5], [sflag:$0x2] =	stream.linear.gather [hbm4b:s3+s5], $0x80, $0x38;
	[tilespmem:$0x3080] =	vst v63  }
0x4b: {  	_ =	swait.ge [sflag:s14], $0x80  }
0x4c: {  	[sflag:s14] =	ssyncset.done $0x0  }
0x4d: {  	[sflag:s14] =	ssyncadd.s32 $0xFFFFFF80  }
0x4e: {  	_ =	swait.ge [sflag:s15], $0x3000  }
0x4f: {  	[sflag:s15] =	ssyncset.done $0x0  }
0x50: {  	[sflag:s15] =	ssyncadd.s32 $0xFFFFD000  }
0x51: {  	v6 =	vld [tilespmem:$0x0];
	_ =	sdelay $0x4  }
0x52: {  	v7 =	vadd.s32 v4, v6  }
0x53: {  	v7 =	vshrl.u32 v7, $0x3  }
0x54: {  	v7 =	vmul.u32 $0x30, v7  }
0x55: {  	v6 =	vand.u32 $0x7, v6  }
0x56: {  	v6 =	vor.u32 v6, v7  }
0x57: {  	v7 =	vperm.xlane v6, v0;
	v6 =	vperm.xlane v6, v2;
	_ =	sdelay $0x1  }
0x58: {  	v7 =	vadd.s32 v5, v7;
	_ =	sdelay $0x4  }
0x59: {  	[hbm4b:s4+s5] =	stream.indirect_vreg.scatter [tilespmem:s6], [sflag:$0x1], $0x80, v7, vm0, $0xb8;
	[tilespmem:$0x3080] =	vst v63  }
0x5a: {  	v6 =	vadd.s32 v5, v6  }
0x5b: {  	[hbm4b:s16+s5] =	stream.indirect_vreg.scatter [tilespmem:s8], [sflag:$0x1], $0x80, v7, vm0, $0xb8;
	[tilespmem:$0x3080] =	vst v63  }
0x5c: {  	_ = 	snop  }
0x5d: {  	[hbm4b:s17+s5] =	stream.indirect_vreg.scatter [tilespmem:s10], [sflag:$0x1], $0x80, v7, vm0, $0xb8;
	[tilespmem:$0x3080] =	vst v63  }
0x5e: {  	_ = 	snop  }
0x5f: {  	[hbm4b:s4+s5] =	stream.indirect_vreg.scatter [tilespmem:s11], [sflag:$0x1], $0x80, v6, vm0, $0xb8;
	[tilespmem:$0x3080] =	vst v63  }
0x60: {  	_ = 	snop  }
0x61: {  	[hbm4b:s16+s5] =	stream.indirect_vreg.scatter [tilespmem:s12], [sflag:$0x1], $0x80, v6, vm0, $0xb8;
	[tilespmem:$0x3080] =	vst v63  }
.Ltmp2:
0x62: {  	_ = 	snop;
	(pc) =	sbr.rel @p0 .LBB2_2-.Ltmp2, $4  }
0x63: {  	_ = 	snop  }
0x64: {  	[hbm4b:s17+s5] =	stream.indirect_vreg.scatter [tilespmem:s13], [sflag:$0x1], $0x80, v6, vm0, $0xb8;
	[tilespmem:$0x3080] =	vst v63  }
0x65: {  	_ =	swait.ge [sflag:s15], $0x3000  }
0x66: {  	[sflag:s15] =	ssyncset.done $0x0  }
.LBB2_3:
0x67: {  	[sflag:s15] =	ssyncadd.s32 $0xFFFFD000  }
.LBB2_4:
0x68: {  	_ =	sfence.sel $0x180000  }
0x69: {  	[bflag:$0x0] =	sbarrier.arrive $0xFFFF  }
0x6a: {  	p0 =	sne.s32 s1, $0x0;
	_ =	strace $0x90000047  }
0x6b: {  	s0 =	sadd.s32 @!p0 $0x100000, s0;
	[bflag:$0x2] =	sbarrier.arrive $0xFFFF  }
0x6c: {  	[sflag:s0] =	ssyncadd.tile.s32 @!p0 $0x1;
	_ =	shalt  }
.Lfunc_end2:
_tile_overlayer_lowered:
.L_overlay_start_2:
0x6d: {  	(tag) =	ssettag $0x2  }
0x6e: {  	s0 =	rddreg [dreg:$0x0];
	s2 =	stileid.u32  }
0x6f: {  	s1 =	rddreg [dreg:$0x1];
	p0 =	sne.s32 s2, $0x0  }
0x70: {  	s3 =	rddreg [dreg:$0x2];
	[bflag:$0x3] =	sbarrier.arrive $0xFFFF;
	s2 =	simm.s32 @!p0 $0x1C03  }
0x71: {  	[timem:s3], [sflag:s2] =	dma.local @!p0 [hbm:s0], s1  }
0x72: {  	s0 =	simm.s32 @!p0 $0x3  }
0x73: {  	_ =	swait.ge @!p0 [sflag:s0], s1  }
0x74: {  	s1 =	ssub.s32 @!p0 $0x0, s1;
	[sflag:s0] =	ssyncset.done @!p0 $0x0  }
0x75: {  	[sflag:s0] =	ssyncadd.s32 @!p0 s1  }
0x76: {  	[bflag:$0x3] =	sbarrier.arrive $0xFFFF  }
0x77: {  	_ =	shalt  }

</sc_bundles>
